<compile_context>
chip_gen: v7x
topology: tpu7x:2x2x1
jax: 0.10.2.dev20260603
libtpu: 0.0.44.dev20260713+nightly
codegen_flags: <defaults>
</compile_context>

<pallas_src>
import jax
import jax.numpy as jnp
from jax import lax
from jax.experimental import pallas as pl
from jax.experimental.pallas import tpu as pltpu
from jax.experimental.pallas import tpu_sc as plsc

_N_DIM = 32
_R = 10.0
_T = 1.0

_INFO = plsc.get_sparse_core_info()
_NC = _INFO.num_cores
_NS = _INFO.num_subcores
_NW = _NC * _NS
_CHUNK = 128
_HALF_CHUNKS = 4

_PHASE = 1 << 18
_TBLK = 16384


def _transpose_body(x0_ref, x1_ref, x2_ref, x3_ref, o_ref):
  stacked = jnp.concatenate(
      [x_ref[...] for x_ref in (x0_ref, x1_ref, x2_ref, x3_ref)], axis=0)
  o_ref[...] = jnp.swapaxes(stacked, 0, 1)


def _tc_detranspose(table_t):
  grid = _PHASE // _TBLK
  max_blk = pl.cdiv(table_t.shape[1], _TBLK) - 1
  in_specs = [
      pl.BlockSpec(
          (_N_DIM, _TBLK),
          lambda i, q=q: (0, jnp.minimum(q * grid + i, max_blk)))
      for q in range(4)
  ]
  return pl.pallas_call(
      _transpose_body,
      grid=(grid,),
      in_specs=in_specs,
      out_specs=pl.BlockSpec((_TBLK, 4 * _N_DIM), lambda i: (i, 0)),
      out_shape=jax.ShapeDtypeStruct((_PHASE, 4 * _N_DIM), jnp.float32),
  )(table_t, table_t, table_t, table_t)


def _sc_gather(idx_grp, table128, n_idx):
  b_per_w = n_idx // _NW
  n_chunks = b_per_w // _CHUNK
  n_half = n_chunks // _HALF_CHUNKS
  half_rows = _HALF_CHUNKS * _CHUNK
  mesh = plsc.VectorSubcoreMesh(core_axis_name="c", subcore_axis_name="s")

  def body(idx_hbm, table_hbm, out_hbm, idx_v, rows_v, sem):
    wid = lax.axis_index("s") * _NC + lax.axis_index("c")
    base = wid * b_per_w
    pltpu.sync_copy(idx_hbm.at[wid], idx_v)
    for h in range(n_half):
      copies = []
      for k in range(_HALF_CHUNKS):
        copies.append(
            pltpu.async_copy(
                table_hbm.at[idx_v.at[h * _HALF_CHUNKS + k]],
                rows_v.at[pl.ds(k * _CHUNK, _CHUNK)],
                sem,
            ))
      for c in copies:
        c.wait()
      pltpu.sync_copy(rows_v,
                      out_hbm.at[pl.ds(base + h * half_rows, half_rows)])

  return pl.kernel(
      body,
      out_type=jax.ShapeDtypeStruct((n_idx, 128), jnp.float32),
      mesh=mesh,
      scratch_types=[
          pltpu.VMEM((n_chunks, _CHUNK), jnp.int32),
          pltpu.VMEM((half_rows, 128), jnp.float32),
          pltpu.SemaphoreType.DMA,
      ],
  )(idx_grp, table128)


def _loss_body(u_ref, v_ref, pairs_ref, lab_ref, o_ref):
  xu = u_ref[...]
  xv = v_ref[...]
  pr = pairs_ref[...]
  qu = pr[:, 0:1] >> 18
  qv = pr[:, 1:2] >> 18
  iot = lax.broadcasted_iota(jnp.int32, (xu.shape[0], _N_DIM), 1)
  u = jnp.take_along_axis(xu, qu * _N_DIM + iot, axis=1)
  v = jnp.take_along_axis(xv, qv * _N_DIM + iot, axis=1)
  d2 = jnp.sum((u - v) ** 2, axis=1, keepdims=True)
  nu = jnp.sum(u * u, axis=1, keepdims=True)
  nv = jnp.sum(v * v, axis=1, keepdims=True)
  ret = 1.0 + 2.0 * d2 / ((1.0 - nu) * (1.0 - nv))
  dist = jnp.log(ret + jnp.sqrt(ret * ret - 1.0))
  z = (dist - _R) / _T
  labf = lab_ref[...].astype(jnp.float32)
  loss = jnp.where(labf == 1.0,
                   jnp.log(jnp.exp(z) + 1.0),
                   jnp.log(1.0 + jnp.exp(-z)))
  o_ref[...] = loss


def kernel(pairs, labels, table):
  batch = pairs.shape[0]
  n_idx = 2 * batch
  table128 = _tc_detranspose(table.T)
  flat_idx = jnp.concatenate([pairs[:, 0], pairs[:, 1]])
  idx_grp = (flat_idx & (_PHASE - 1)).reshape(_NW, n_idx // _NW // _CHUNK,
                                              _CHUNK)
  rows = _sc_gather(idx_grp, table128, n_idx)
  lab2 = labels.reshape(batch, 1)
  blk = 2048
  grid = batch // blk
  out = pl.pallas_call(
      _loss_body,
      grid=(grid,),
      in_specs=[
          pl.BlockSpec((blk, 128), lambda i: (i, 0)),
          pl.BlockSpec((blk, 128), lambda i: (i + grid, 0)),
          pl.BlockSpec((blk, 2), lambda i: (i, 0)),
          pl.BlockSpec((blk, 1), lambda i: (i, 0)),
      ],
      out_specs=pl.BlockSpec((blk, 1), lambda i: (i, 0)),
      out_shape=jax.ShapeDtypeStruct((batch, 1), jnp.float32),
  )(rows, rows, pairs, lab2)
  return out.reshape(batch)

# --- scband reference (transcript-rebuilt; emitter-appended) ---
"""Pipeline reference for scband-poincare-73383811219498 (READ-ONLY COPY).

The authoritative reference and input builder live on the scoring server;
editing this copy changes nothing except your own understanding.
"""

import jax, jax.numpy as jnp
import numpy as np

N_NODES = 1000000
N_DIM = 32
R = 10.0
T = 1.0
INIT_RANGE = 0.001
BATCH = 16384


def setup_inputs(seed: int = 0) -> dict:
    key = jax.random.key(seed)
    k1, k2, k3 = jax.random.split(key, 3)
    pairs = jax.random.randint(k1, (BATCH, 2), 0, N_NODES, dtype=jnp.int32)
    labels = jax.random.randint(k2, (BATCH,), 0, 2, dtype=jnp.int32)
    table = jax.random.uniform(k3, (N_NODES, N_DIM), dtype=jnp.float32,
                               minval=-INIT_RANGE, maxval=INIT_RANGE)
    return {"pairs": pairs, "labels": labels, "table": table}


def _arcosh(x):
    return jnp.log(x + jnp.sqrt(x ** 2 - 1))


def _e_dist_2(u, v):
    return jnp.sum((u - v) ** 2, axis=1)


def _h_dist(u, v):
    ret = 1.0 + 2.0 * _e_dist_2(u, v) / ((1.0 - _e_dist_2(0.0, u)) * (1.0 - _e_dist_2(0.0, v)))
    return _arcosh(ret)


def reference(pairs, labels, table):
    us = jnp.take(table, pairs[:, 0], axis=0)
    vs = jnp.take(table, pairs[:, 1], axis=0)
    dist = _h_dist(us, vs)
    labf = labels.astype(jnp.float32)
    z = (dist - R) / T
    loss = jnp.where(labf == 1.0,
                     jnp.log(jnp.exp(z) + 1.0),
                     jnp.log(1.0 + 1.0 / jnp.exp(z)))
    return loss

if __name__ == "__main__":
    import jax
    _d = setup_inputs()
    print(jax.jit(kernel)(*tuple(_d.values())))

</pallas_src>

<mosaic_0001>
#map = affine_map<(d0, d1) -> (0, 0, 0)>
#map1 = affine_map<(d0, d1) -> (0, 0)>
module attributes {stable_mosaic.version = 14 : i64} {
  func.func @body(%arg0: i32, %arg1: i32, %arg2: memref<32x8x128xi32, #tpu.memory_space<hbm>>, %arg3: memref<262144x128xf32, #tpu.memory_space<hbm>>, %arg4: memref<32768x128xf32, #tpu.memory_space<hbm>>, %arg5: memref<8x128xi32, #tpu.memory_space<vmem>>, %arg6: memref<512x128xf32, #tpu.memory_space<vmem>>, %arg7: memref<!tpu.dma_semaphore, #tpu.memory_space<semaphore_mem>>) attributes {dimension_semantics = [#tpu.dimension_semantics<core_parallel>, #tpu.dimension_semantics<subcore_parallel>], iteration_bounds = array<i64: 2, 16>, scalar_prefetch = 0 : i64, scratch_operands = 3 : i64, tpu.core_type = #tpu.core_type<sc_vector_subcore>, window_params = [{transform_indices = #map}, {transform_indices = #map1}, {transform_indices = #map1}]} {
    %mul3A = arith.constant 2 : i32
    %mul3A_0 = arith.muli %arg1, %mul3A : i32
    %add3A = arith.addi %mul3A_0, %arg0 : i32
    %mul3A_1 = arith.constant 1024 : i32
    %mul3A_2 = arith.muli %add3A, %mul3A_1 : i32
    "tpu.region"() ({
      %run_scoped3A = tpu.sem_alloc : memref<!tpu.dma_semaphore, #tpu.memory_space<semaphore_mem>>
      %dma_start3A_165 = arith.constant 0 : i32
      %dma_start3A_166 = arith.constant 0 : i32
      %dma_start3A_167 = tpu.memref_slice %arg2[%add3A, %dma_start3A_165, %dma_start3A_166] : memref<32x8x128xi32, #tpu.memory_space<hbm>> -> memref<1x8x128xi32, #tpu.memory_space<hbm>>
      %dma_start3A_168 = tpu.memref_squeeze %dma_start3A_167 : memref<1x8x128xi32, #tpu.memory_space<hbm>> -> memref<8x128xi32, #tpu.memory_space<hbm>>
      %dma_start3A_169 = arith.constant 0 : i32
      %dma_start3A_170 = arith.constant 0 : i32
      %dma_start3A_171 = tpu.memref_slice %arg2[%add3A, %dma_start3A_169, %dma_start3A_170] : memref<32x8x128xi32, #tpu.memory_space<hbm>> -> memref<1x8x128xi32, #tpu.memory_space<hbm>>
      %dma_start3A_172 = tpu.memref_squeeze %dma_start3A_171 : memref<1x8x128xi32, #tpu.memory_space<hbm>> -> memref<8x128xi32, #tpu.memory_space<hbm>>
      tpu.enqueue_dma source(%dma_start3A_172 : memref<8x128xi32, #tpu.memory_space<hbm>>) target(%arg5 : memref<8x128xi32, #tpu.memory_space<vmem>>) target_semaphore(%run_scoped3A : memref<!tpu.dma_semaphore, #tpu.memory_space<semaphore_mem>>)
      %dma_wait3A_173 = arith.constant 0 : i32
      %dma_wait3A_174 = arith.constant 0 : i32
      %dma_wait3A_175 = tpu.memref_slice %arg2[%add3A, %dma_wait3A_173, %dma_wait3A_174] : memref<32x8x128xi32, #tpu.memory_space<hbm>> -> memref<1x8x128xi32, #tpu.memory_space<hbm>>
      %dma_wait3A_176 = tpu.memref_squeeze %dma_wait3A_175 : memref<1x8x128xi32, #tpu.memory_space<hbm>> -> memref<8x128xi32, #tpu.memory_space<hbm>>
      %dma_wait3A_177 = arith.constant 0 : i32
      %dma_wait3A_178 = arith.constant 0 : i32
      %dma_wait3A_179 = tpu.memref_slice %arg2[%add3A, %dma_wait3A_177, %dma_wait3A_178] : memref<32x8x128xi32, #tpu.memory_space<hbm>> -> memref<1x8x128xi32, #tpu.memory_space<hbm>>
      %dma_wait3A_180 = tpu.memref_squeeze %dma_wait3A_179 : memref<1x8x128xi32, #tpu.memory_space<hbm>> -> memref<8x128xi32, #tpu.memory_space<hbm>>
      tpu.wait_dma2 semaphore(%run_scoped3A : memref<!tpu.dma_semaphore, #tpu.memory_space<semaphore_mem>>) src(%dma_wait3A_180 : memref<8x128xi32, #tpu.memory_space<hbm>>) dst(%arg5 : memref<8x128xi32, #tpu.memory_space<vmem>>)
      tpu.yield
    }) : () -> ()
    %dma_start3A = arith.constant 0 : i32
    %dma_start3A_3 = arith.constant 0 : i32
    %dma_start3A_4 = arith.constant 0 : i32
    %dma_start3A_5 = tpu.memref_slice %arg6[%dma_start3A_3, %dma_start3A_4] : memref<512x128xf32, #tpu.memory_space<vmem>> -> memref<128x128xf32, #tpu.memory_space<vmem>>
    %dma_start3A_6 = arith.constant 0 : i32
    %dma_start3A_7 = tpu.memref_slice %arg5[%dma_start3A, %dma_start3A_6] : memref<8x128xi32, #tpu.memory_space<vmem>> -> memref<1x128xi32, #tpu.memory_space<vmem>>
    %dma_start3A_8 = tpu.memref_squeeze %dma_start3A_7 : memref<1x128xi32, #tpu.memory_space<vmem>> -> memref<128xi32, #tpu.memory_space<vmem>>
    %dma_start3A_9 = arith.constant 0 : i32
    %dma_start3A_10 = arith.constant 0 : i32
    %dma_start3A_11 = tpu.memref_slice %arg3[%dma_start3A_9, %dma_start3A_10] : memref<262144x128xf32, #tpu.memory_space<hbm>> -> memref<262144x128xf32, #tpu.memory_space<hbm>>
    tpu.enqueue_indirect_dma source(%dma_start3A_11 : memref<262144x128xf32, #tpu.memory_space<hbm>>) target(%dma_start3A_5 : memref<128x128xf32, #tpu.memory_space<vmem>>) offsets(%dma_start3A_8 : memref<128xi32, #tpu.memory_space<vmem>>) semaphore(%arg7 : memref<!tpu.dma_semaphore, #tpu.memory_space<semaphore_mem>>)
    %dma_start3A_12 = arith.constant 1 : i32
    %dma_start3A_13 = arith.constant 128 : i32
    %dma_start3A_14 = arith.constant 0 : i32
    %dma_start3A_15 = tpu.memref_slice %arg6[%dma_start3A_13, %dma_start3A_14] : memref<512x128xf32, #tpu.memory_space<vmem>> -> memref<128x128xf32, #tpu.memory_space<vmem>>
    %dma_start3A_16 = arith.constant 0 : i32
    %dma_start3A_17 = tpu.memref_slice %arg5[%dma_start3A_12, %dma_start3A_16] : memref<8x128xi32, #tpu.memory_space<vmem>> -> memref<1x128xi32, #tpu.memory_space<vmem>>
    %dma_start3A_18 = tpu.memref_squeeze %dma_start3A_17 : memref<1x128xi32, #tpu.memory_space<vmem>> -> memref<128xi32, #tpu.memory_space<vmem>>
    %dma_start3A_19 = arith.constant 0 : i32
    %dma_start3A_20 = arith.constant 0 : i32
    %dma_start3A_21 = tpu.memref_slice %arg3[%dma_start3A_19, %dma_start3A_20] : memref<262144x128xf32, #tpu.memory_space<hbm>> -> memref<262144x128xf32, #tpu.memory_space<hbm>>
    tpu.enqueue_indirect_dma source(%dma_start3A_21 : memref<262144x128xf32, #tpu.memory_space<hbm>>) target(%dma_start3A_15 : memref<128x128xf32, #tpu.memory_space<vmem>>) offsets(%dma_start3A_18 : memref<128xi32, #tpu.memory_space<vmem>>) semaphore(%arg7 : memref<!tpu.dma_semaphore, #tpu.memory_space<semaphore_mem>>)
    %dma_start3A_22 = arith.constant 2 : i32
    %dma_start3A_23 = arith.constant 256 : i32
    %dma_start3A_24 = arith.constant 0 : i32
    %dma_start3A_25 = tpu.memref_slice %arg6[%dma_start3A_23, %dma_start3A_24] : memref<512x128xf32, #tpu.memory_space<vmem>> -> memref<128x128xf32, #tpu.memory_space<vmem>>
    %dma_start3A_26 = arith.constant 0 : i32
    %dma_start3A_27 = tpu.memref_slice %arg5[%dma_start3A_22, %dma_start3A_26] : memref<8x128xi32, #tpu.memory_space<vmem>> -> memref<1x128xi32, #tpu.memory_space<vmem>>
    %dma_start3A_28 = tpu.memref_squeeze %dma_start3A_27 : memref<1x128xi32, #tpu.memory_space<vmem>> -> memref<128xi32, #tpu.memory_space<vmem>>
    %dma_start3A_29 = arith.constant 0 : i32
    %dma_start3A_30 = arith.constant 0 : i32
    %dma_start3A_31 = tpu.memref_slice %arg3[%dma_start3A_29, %dma_start3A_30] : memref<262144x128xf32, #tpu.memory_space<hbm>> -> memref<262144x128xf32, #tpu.memory_space<hbm>>
    tpu.enqueue_indirect_dma source(%dma_start3A_31 : memref<262144x128xf32, #tpu.memory_space<hbm>>) target(%dma_start3A_25 : memref<128x128xf32, #tpu.memory_space<vmem>>) offsets(%dma_start3A_28 : memref<128xi32, #tpu.memory_space<vmem>>) semaphore(%arg7 : memref<!tpu.dma_semaphore, #tpu.memory_space<semaphore_mem>>)
    %dma_start3A_32 = arith.constant 3 : i32
    %dma_start3A_33 = arith.constant 384 : i32
    %dma_start3A_34 = arith.constant 0 : i32
    %dma_start3A_35 = tpu.memref_slice %arg6[%dma_start3A_33, %dma_start3A_34] : memref<512x128xf32, #tpu.memory_space<vmem>> -> memref<128x128xf32, #tpu.memory_space<vmem>>
    %dma_start3A_36 = arith.constant 0 : i32
    %dma_start3A_37 = tpu.memref_slice %arg5[%dma_start3A_32, %dma_start3A_36] : memref<8x128xi32, #tpu.memory_space<vmem>> -> memref<1x128xi32, #tpu.memory_space<vmem>>
    %dma_start3A_38 = tpu.memref_squeeze %dma_start3A_37 : memref<1x128xi32, #tpu.memory_space<vmem>> -> memref<128xi32, #tpu.memory_space<vmem>>
    %dma_start3A_39 = arith.constant 0 : i32
    %dma_start3A_40 = arith.constant 0 : i32
    %dma_start3A_41 = tpu.memref_slice %arg3[%dma_start3A_39, %dma_start3A_40] : memref<262144x128xf32, #tpu.memory_space<hbm>> -> memref<262144x128xf32, #tpu.memory_space<hbm>>
    tpu.enqueue_indirect_dma source(%dma_start3A_41 : memref<262144x128xf32, #tpu.memory_space<hbm>>) target(%dma_start3A_35 : memref<128x128xf32, #tpu.memory_space<vmem>>) offsets(%dma_start3A_38 : memref<128xi32, #tpu.memory_space<vmem>>) semaphore(%arg7 : memref<!tpu.dma_semaphore, #tpu.memory_space<semaphore_mem>>)
    %dma_wait3A = arith.constant 0 : i32
    %dma_wait3A_42 = arith.constant 0 : i32
    %dma_wait3A_43 = arith.constant 0 : i32
    %dma_wait3A_44 = tpu.memref_slice %arg6[%dma_wait3A_42, %dma_wait3A_43] : memref<512x128xf32, #tpu.memory_space<vmem>> -> memref<128x128xf32, #tpu.memory_space<vmem>>
    %dma_wait3A_45 = arith.constant 0 : i32
    %dma_wait3A_46 = tpu.memref_slice %arg5[%dma_wait3A, %dma_wait3A_45] : memref<8x128xi32, #tpu.memory_space<vmem>> -> memref<1x128xi32, #tpu.memory_space<vmem>>
    %dma_wait3A_47 = tpu.memref_squeeze %dma_wait3A_46 : memref<1x128xi32, #tpu.memory_space<vmem>> -> memref<128xi32, #tpu.memory_space<vmem>>
    %dma_wait3A_48 = arith.constant 0 : i32
    %dma_wait3A_49 = arith.constant 0 : i32
    %dma_wait3A_50 = tpu.memref_slice %arg3[%dma_wait3A_48, %dma_wait3A_49] : memref<262144x128xf32, #tpu.memory_space<hbm>> -> memref<262144x128xf32, #tpu.memory_space<hbm>>
    tpu.wait_indirect_dma semaphore(%arg7 : memref<!tpu.dma_semaphore, #tpu.memory_space<semaphore_mem>>) src(%dma_wait3A_50 : memref<262144x128xf32, #tpu.memory_space<hbm>>) dst(%dma_wait3A_44 : memref<128x128xf32, #tpu.memory_space<vmem>>)
    %dma_wait3A_51 = arith.constant 1 : i32
    %dma_wait3A_52 = arith.constant 128 : i32
    %dma_wait3A_53 = arith.constant 0 : i32
    %dma_wait3A_54 = tpu.memref_slice %arg6[%dma_wait3A_52, %dma_wait3A_53] : memref<512x128xf32, #tpu.memory_space<vmem>> -> memref<128x128xf32, #tpu.memory_space<vmem>>
    %dma_wait3A_55 = arith.constant 0 : i32
    %dma_wait3A_56 = tpu.memref_slice %arg5[%dma_wait3A_51, %dma_wait3A_55] : memref<8x128xi32, #tpu.memory_space<vmem>> -> memref<1x128xi32, #tpu.memory_space<vmem>>
    %dma_wait3A_57 = tpu.memref_squeeze %dma_wait3A_56 : memref<1x128xi32, #tpu.memory_space<vmem>> -> memref<128xi32, #tpu.memory_space<vmem>>
    %dma_wait3A_58 = arith.constant 0 : i32
    %dma_wait3A_59 = arith.constant 0 : i32
    %dma_wait3A_60 = tpu.memref_slice %arg3[%dma_wait3A_58, %dma_wait3A_59] : memref<262144x128xf32, #tpu.memory_space<hbm>> -> memref<262144x128xf32, #tpu.memory_space<hbm>>
    tpu.wait_indirect_dma semaphore(%arg7 : memref<!tpu.dma_semaphore, #tpu.memory_space<semaphore_mem>>) src(%dma_wait3A_60 : memref<262144x128xf32, #tpu.memory_space<hbm>>) dst(%dma_wait3A_54 : memref<128x128xf32, #tpu.memory_space<vmem>>)
    %dma_wait3A_61 = arith.constant 2 : i32
    %dma_wait3A_62 = arith.constant 256 : i32
    %dma_wait3A_63 = arith.constant 0 : i32
    %dma_wait3A_64 = tpu.memref_slice %arg6[%dma_wait3A_62, %dma_wait3A_63] : memref<512x128xf32, #tpu.memory_space<vmem>> -> memref<128x128xf32, #tpu.memory_space<vmem>>
    %dma_wait3A_65 = arith.constant 0 : i32
    %dma_wait3A_66 = tpu.memref_slice %arg5[%dma_wait3A_61, %dma_wait3A_65] : memref<8x128xi32, #tpu.memory_space<vmem>> -> memref<1x128xi32, #tpu.memory_space<vmem>>
    %dma_wait3A_67 = tpu.memref_squeeze %dma_wait3A_66 : memref<1x128xi32, #tpu.memory_space<vmem>> -> memref<128xi32, #tpu.memory_space<vmem>>
    %dma_wait3A_68 = arith.constant 0 : i32
    %dma_wait3A_69 = arith.constant 0 : i32
    %dma_wait3A_70 = tpu.memref_slice %arg3[%dma_wait3A_68, %dma_wait3A_69] : memref<262144x128xf32, #tpu.memory_space<hbm>> -> memref<262144x128xf32, #tpu.memory_space<hbm>>
    tpu.wait_indirect_dma semaphore(%arg7 : memref<!tpu.dma_semaphore, #tpu.memory_space<semaphore_mem>>) src(%dma_wait3A_70 : memref<262144x128xf32, #tpu.memory_space<hbm>>) dst(%dma_wait3A_64 : memref<128x128xf32, #tpu.memory_space<vmem>>)
    %dma_wait3A_71 = arith.constant 3 : i32
    %dma_wait3A_72 = arith.constant 384 : i32
    %dma_wait3A_73 = arith.constant 0 : i32
    %dma_wait3A_74 = tpu.memref_slice %arg6[%dma_wait3A_72, %dma_wait3A_73] : memref<512x128xf32, #tpu.memory_space<vmem>> -> memref<128x128xf32, #tpu.memory_space<vmem>>
    %dma_wait3A_75 = arith.constant 0 : i32
    %dma_wait3A_76 = tpu.memref_slice %arg5[%dma_wait3A_71, %dma_wait3A_75] : memref<8x128xi32, #tpu.memory_space<vmem>> -> memref<1x128xi32, #tpu.memory_space<vmem>>
    %dma_wait3A_77 = tpu.memref_squeeze %dma_wait3A_76 : memref<1x128xi32, #tpu.memory_space<vmem>> -> memref<128xi32, #tpu.memory_space<vmem>>
    %dma_wait3A_78 = arith.constant 0 : i32
    %dma_wait3A_79 = arith.constant 0 : i32
    %dma_wait3A_80 = tpu.memref_slice %arg3[%dma_wait3A_78, %dma_wait3A_79] : memref<262144x128xf32, #tpu.memory_space<hbm>> -> memref<262144x128xf32, #tpu.memory_space<hbm>>
    tpu.wait_indirect_dma semaphore(%arg7 : memref<!tpu.dma_semaphore, #tpu.memory_space<semaphore_mem>>) src(%dma_wait3A_80 : memref<262144x128xf32, #tpu.memory_space<hbm>>) dst(%dma_wait3A_74 : memref<128x128xf32, #tpu.memory_space<vmem>>)
    %add3A_81 = arith.constant 0 : i32
    %add3A_82 = arith.addi %mul3A_2, %add3A_81 : i32
    "tpu.region"() ({
      %run_scoped3A = tpu.sem_alloc : memref<!tpu.dma_semaphore, #tpu.memory_space<semaphore_mem>>
      %dma_start3A_165 = arith.constant 0 : i32
      %dma_start3A_166 = tpu.memref_slice %arg4[%add3A_82, %dma_start3A_165] : memref<32768x128xf32, #tpu.memory_space<hbm>> -> memref<512x128xf32, #tpu.memory_space<hbm>>
      %dma_start3A_167 = arith.constant 0 : i32
      %dma_start3A_168 = tpu.memref_slice %arg4[%add3A_82, %dma_start3A_167] : memref<32768x128xf32, #tpu.memory_space<hbm>> -> memref<512x128xf32, #tpu.memory_space<hbm>>
      tpu.enqueue_dma source(%arg6 : memref<512x128xf32, #tpu.memory_space<vmem>>) target(%dma_start3A_168 : memref<512x128xf32, #tpu.memory_space<hbm>>) target_semaphore(%run_scoped3A : memref<!tpu.dma_semaphore, #tpu.memory_space<semaphore_mem>>)
      %dma_wait3A_169 = arith.constant 0 : i32
      %dma_wait3A_170 = tpu.memref_slice %arg4[%add3A_82, %dma_wait3A_169] : memref<32768x128xf32, #tpu.memory_space<hbm>> -> memref<512x128xf32, #tpu.memory_space<hbm>>
      %dma_wait3A_171 = arith.constant 0 : i32
      %dma_wait3A_172 = tpu.memref_slice %arg4[%add3A_82, %dma_wait3A_171] : memref<32768x128xf32, #tpu.memory_space<hbm>> -> memref<512x128xf32, #tpu.memory_space<hbm>>
      tpu.wait_dma2 semaphore(%run_scoped3A : memref<!tpu.dma_semaphore, #tpu.memory_space<semaphore_mem>>) src(%arg6 : memref<512x128xf32, #tpu.memory_space<vmem>>) dst(%dma_wait3A_172 : memref<512x128xf32, #tpu.memory_space<hbm>>)
      tpu.yield
    }) : () -> ()
    %dma_start3A_83 = arith.constant 4 : i32
    %dma_start3A_84 = arith.constant 0 : i32
    %dma_start3A_85 = arith.constant 0 : i32
    %dma_start3A_86 = tpu.memref_slice %arg6[%dma_start3A_84, %dma_start3A_85] : memref<512x128xf32, #tpu.memory_space<vmem>> -> memref<128x128xf32, #tpu.memory_space<vmem>>
    %dma_start3A_87 = arith.constant 0 : i32
    %dma_start3A_88 = tpu.memref_slice %arg5[%dma_start3A_83, %dma_start3A_87] : memref<8x128xi32, #tpu.memory_space<vmem>> -> memref<1x128xi32, #tpu.memory_space<vmem>>
    %dma_start3A_89 = tpu.memref_squeeze %dma_start3A_88 : memref<1x128xi32, #tpu.memory_space<vmem>> -> memref<128xi32, #tpu.memory_space<vmem>>
    %dma_start3A_90 = arith.constant 0 : i32
    %dma_start3A_91 = arith.constant 0 : i32
    %dma_start3A_92 = tpu.memref_slice %arg3[%dma_start3A_90, %dma_start3A_91] : memref<262144x128xf32, #tpu.memory_space<hbm>> -> memref<262144x128xf32, #tpu.memory_space<hbm>>
    tpu.enqueue_indirect_dma source(%dma_start3A_92 : memref<262144x128xf32, #tpu.memory_space<hbm>>) target(%dma_start3A_86 : memref<128x128xf32, #tpu.memory_space<vmem>>) offsets(%dma_start3A_89 : memref<128xi32, #tpu.memory_space<vmem>>) semaphore(%arg7 : memref<!tpu.dma_semaphore, #tpu.memory_space<semaphore_mem>>)
    %dma_start3A_93 = arith.constant 5 : i32
    %dma_start3A_94 = arith.constant 128 : i32
    %dma_start3A_95 = arith.constant 0 : i32
    %dma_start3A_96 = tpu.memref_slice %arg6[%dma_start3A_94, %dma_start3A_95] : memref<512x128xf32, #tpu.memory_space<vmem>> -> memref<128x128xf32, #tpu.memory_space<vmem>>
    %dma_start3A_97 = arith.constant 0 : i32
    %dma_start3A_98 = tpu.memref_slice %arg5[%dma_start3A_93, %dma_start3A_97] : memref<8x128xi32, #tpu.memory_space<vmem>> -> memref<1x128xi32, #tpu.memory_space<vmem>>
    %dma_start3A_99 = tpu.memref_squeeze %dma_start3A_98 : memref<1x128xi32, #tpu.memory_space<vmem>> -> memref<128xi32, #tpu.memory_space<vmem>>
    %dma_start3A_100 = arith.constant 0 : i32
    %dma_start3A_101 = arith.constant 0 : i32
    %dma_start3A_102 = tpu.memref_slice %arg3[%dma_start3A_100, %dma_start3A_101] : memref<262144x128xf32, #tpu.memory_space<hbm>> -> memref<262144x128xf32, #tpu.memory_space<hbm>>
    tpu.enqueue_indirect_dma source(%dma_start3A_102 : memref<262144x128xf32, #tpu.memory_space<hbm>>) target(%dma_start3A_96 : memref<128x128xf32, #tpu.memory_space<vmem>>) offsets(%dma_start3A_99 : memref<128xi32, #tpu.memory_space<vmem>>) semaphore(%arg7 : memref<!tpu.dma_semaphore, #tpu.memory_space<semaphore_mem>>)
    %dma_start3A_103 = arith.constant 6 : i32
    %dma_start3A_104 = arith.constant 256 : i32
    %dma_start3A_105 = arith.constant 0 : i32
    %dma_start3A_106 = tpu.memref_slice %arg6[%dma_start3A_104, %dma_start3A_105] : memref<512x128xf32, #tpu.memory_space<vmem>> -> memref<128x128xf32, #tpu.memory_space<vmem>>
    %dma_start3A_107 = arith.constant 0 : i32
    %dma_start3A_108 = tpu.memref_slice %arg5[%dma_start3A_103, %dma_start3A_107] : memref<8x128xi32, #tpu.memory_space<vmem>> -> memref<1x128xi32, #tpu.memory_space<vmem>>
    %dma_start3A_109 = tpu.memref_squeeze %dma_start3A_108 : memref<1x128xi32, #tpu.memory_space<vmem>> -> memref<128xi32, #tpu.memory_space<vmem>>
    %dma_start3A_110 = arith.constant 0 : i32
    %dma_start3A_111 = arith.constant 0 : i32
    %dma_start3A_112 = tpu.memref_slice %arg3[%dma_start3A_110, %dma_start3A_111] : memref<262144x128xf32, #tpu.memory_space<hbm>> -> memref<262144x128xf32, #tpu.memory_space<hbm>>
    tpu.enqueue_indirect_dma source(%dma_start3A_112 : memref<262144x128xf32, #tpu.memory_space<hbm>>) target(%dma_start3A_106 : memref<128x128xf32, #tpu.memory_space<vmem>>) offsets(%dma_start3A_109 : memref<128xi32, #tpu.memory_space<vmem>>) semaphore(%arg7 : memref<!tpu.dma_semaphore, #tpu.memory_space<semaphore_mem>>)
    %dma_start3A_113 = arith.constant 7 : i32
    %dma_start3A_114 = arith.constant 384 : i32
    %dma_start3A_115 = arith.constant 0 : i32
    %dma_start3A_116 = tpu.memref_slice %arg6[%dma_start3A_114, %dma_start3A_115] : memref<512x128xf32, #tpu.memory_space<vmem>> -> memref<128x128xf32, #tpu.memory_space<vmem>>
    %dma_start3A_117 = arith.constant 0 : i32
    %dma_start3A_118 = tpu.memref_slice %arg5[%dma_start3A_113, %dma_start3A_117] : memref<8x128xi32, #tpu.memory_space<vmem>> -> memref<1x128xi32, #tpu.memory_space<vmem>>
    %dma_start3A_119 = tpu.memref_squeeze %dma_start3A_118 : memref<1x128xi32, #tpu.memory_space<vmem>> -> memref<128xi32, #tpu.memory_space<vmem>>
    %dma_start3A_120 = arith.constant 0 : i32
    %dma_start3A_121 = arith.constant 0 : i32
    %dma_start3A_122 = tpu.memref_slice %arg3[%dma_start3A_120, %dma_start3A_121] : memref<262144x128xf32, #tpu.memory_space<hbm>> -> memref<262144x128xf32, #tpu.memory_space<hbm>>
    tpu.enqueue_indirect_dma source(%dma_start3A_122 : memref<262144x128xf32, #tpu.memory_space<hbm>>) target(%dma_start3A_116 : memref<128x128xf32, #tpu.memory_space<vmem>>) offsets(%dma_start3A_119 : memref<128xi32, #tpu.memory_space<vmem>>) semaphore(%arg7 : memref<!tpu.dma_semaphore, #tpu.memory_space<semaphore_mem>>)
    %dma_wait3A_123 = arith.constant 4 : i32
    %dma_wait3A_124 = arith.constant 0 : i32
    %dma_wait3A_125 = arith.constant 0 : i32
    %dma_wait3A_126 = tpu.memref_slice %arg6[%dma_wait3A_124, %dma_wait3A_125] : memref<512x128xf32, #tpu.memory_space<vmem>> -> memref<128x128xf32, #tpu.memory_space<vmem>>
    %dma_wait3A_127 = arith.constant 0 : i32
    %dma_wait3A_128 = tpu.memref_slice %arg5[%dma_wait3A_123, %dma_wait3A_127] : memref<8x128xi32, #tpu.memory_space<vmem>> -> memref<1x128xi32, #tpu.memory_space<vmem>>
    %dma_wait3A_129 = tpu.memref_squeeze %dma_wait3A_128 : memref<1x128xi32, #tpu.memory_space<vmem>> -> memref<128xi32, #tpu.memory_space<vmem>>
    %dma_wait3A_130 = arith.constant 0 : i32
    %dma_wait3A_131 = arith.constant 0 : i32
    %dma_wait3A_132 = tpu.memref_slice %arg3[%dma_wait3A_130, %dma_wait3A_131] : memref<262144x128xf32, #tpu.memory_space<hbm>> -> memref<262144x128xf32, #tpu.memory_space<hbm>>
    tpu.wait_indirect_dma semaphore(%arg7 : memref<!tpu.dma_semaphore, #tpu.memory_space<semaphore_mem>>) src(%dma_wait3A_132 : memref<262144x128xf32, #tpu.memory_space<hbm>>) dst(%dma_wait3A_126 : memref<128x128xf32, #tpu.memory_space<vmem>>)
    %dma_wait3A_133 = arith.constant 5 : i32
    %dma_wait3A_134 = arith.constant 128 : i32
    %dma_wait3A_135 = arith.constant 0 : i32
    %dma_wait3A_136 = tpu.memref_slice %arg6[%dma_wait3A_134, %dma_wait3A_135] : memref<512x128xf32, #tpu.memory_space<vmem>> -> memref<128x128xf32, #tpu.memory_space<vmem>>
    %dma_wait3A_137 = arith.constant 0 : i32
    %dma_wait3A_138 = tpu.memref_slice %arg5[%dma_wait3A_133, %dma_wait3A_137] : memref<8x128xi32, #tpu.memory_space<vmem>> -> memref<1x128xi32, #tpu.memory_space<vmem>>
    %dma_wait3A_139 = tpu.memref_squeeze %dma_wait3A_138 : memref<1x128xi32, #tpu.memory_space<vmem>> -> memref<128xi32, #tpu.memory_space<vmem>>
    %dma_wait3A_140 = arith.constant 0 : i32
    %dma_wait3A_141 = arith.constant 0 : i32
    %dma_wait3A_142 = tpu.memref_slice %arg3[%dma_wait3A_140, %dma_wait3A_141] : memref<262144x128xf32, #tpu.memory_space<hbm>> -> memref<262144x128xf32, #tpu.memory_space<hbm>>
    tpu.wait_indirect_dma semaphore(%arg7 : memref<!tpu.dma_semaphore, #tpu.memory_space<semaphore_mem>>) src(%dma_wait3A_142 : memref<262144x128xf32, #tpu.memory_space<hbm>>) dst(%dma_wait3A_136 : memref<128x128xf32, #tpu.memory_space<vmem>>)
    %dma_wait3A_143 = arith.constant 6 : i32
    %dma_wait3A_144 = arith.constant 256 : i32
    %dma_wait3A_145 = arith.constant 0 : i32
    %dma_wait3A_146 = tpu.memref_slice %arg6[%dma_wait3A_144, %dma_wait3A_145] : memref<512x128xf32, #tpu.memory_space<vmem>> -> memref<128x128xf32, #tpu.memory_space<vmem>>
    %dma_wait3A_147 = arith.constant 0 : i32
    %dma_wait3A_148 = tpu.memref_slice %arg5[%dma_wait3A_143, %dma_wait3A_147] : memref<8x128xi32, #tpu.memory_space<vmem>> -> memref<1x128xi32, #tpu.memory_space<vmem>>
    %dma_wait3A_149 = tpu.memref_squeeze %dma_wait3A_148 : memref<1x128xi32, #tpu.memory_space<vmem>> -> memref<128xi32, #tpu.memory_space<vmem>>
    %dma_wait3A_150 = arith.constant 0 : i32
    %dma_wait3A_151 = arith.constant 0 : i32
    %dma_wait3A_152 = tpu.memref_slice %arg3[%dma_wait3A_150, %dma_wait3A_151] : memref<262144x128xf32, #tpu.memory_space<hbm>> -> memref<262144x128xf32, #tpu.memory_space<hbm>>
    tpu.wait_indirect_dma semaphore(%arg7 : memref<!tpu.dma_semaphore, #tpu.memory_space<semaphore_mem>>) src(%dma_wait3A_152 : memref<262144x128xf32, #tpu.memory_space<hbm>>) dst(%dma_wait3A_146 : memref<128x128xf32, #tpu.memory_space<vmem>>)
    %dma_wait3A_153 = arith.constant 7 : i32
    %dma_wait3A_154 = arith.constant 384 : i32
    %dma_wait3A_155 = arith.constant 0 : i32
    %dma_wait3A_156 = tpu.memref_slice %arg6[%dma_wait3A_154, %dma_wait3A_155] : memref<512x128xf32, #tpu.memory_space<vmem>> -> memref<128x128xf32, #tpu.memory_space<vmem>>
    %dma_wait3A_157 = arith.constant 0 : i32
    %dma_wait3A_158 = tpu.memref_slice %arg5[%dma_wait3A_153, %dma_wait3A_157] : memref<8x128xi32, #tpu.memory_space<vmem>> -> memref<1x128xi32, #tpu.memory_space<vmem>>
    %dma_wait3A_159 = tpu.memref_squeeze %dma_wait3A_158 : memref<1x128xi32, #tpu.memory_space<vmem>> -> memref<128xi32, #tpu.memory_space<vmem>>
    %dma_wait3A_160 = arith.constant 0 : i32
    %dma_wait3A_161 = arith.constant 0 : i32
    %dma_wait3A_162 = tpu.memref_slice %arg3[%dma_wait3A_160, %dma_wait3A_161] : memref<262144x128xf32, #tpu.memory_space<hbm>> -> memref<262144x128xf32, #tpu.memory_space<hbm>>
    tpu.wait_indirect_dma semaphore(%arg7 : memref<!tpu.dma_semaphore, #tpu.memory_space<semaphore_mem>>) src(%dma_wait3A_162 : memref<262144x128xf32, #tpu.memory_space<hbm>>) dst(%dma_wait3A_156 : memref<128x128xf32, #tpu.memory_space<vmem>>)
    %add3A_163 = arith.constant 512 : i32
    %add3A_164 = arith.addi %mul3A_2, %add3A_163 : i32
    "tpu.region"() ({
      %run_scoped3A = tpu.sem_alloc : memref<!tpu.dma_semaphore, #tpu.memory_space<semaphore_mem>>
      %dma_start3A_165 = arith.constant 0 : i32
      %dma_start3A_166 = tpu.memref_slice %arg4[%add3A_164, %dma_start3A_165] : memref<32768x128xf32, #tpu.memory_space<hbm>> -> memref<512x128xf32, #tpu.memory_space<hbm>>
      %dma_start3A_167 = arith.constant 0 : i32
      %dma_start3A_168 = tpu.memref_slice %arg4[%add3A_164, %dma_start3A_167] : memref<32768x128xf32, #tpu.memory_space<hbm>> -> memref<512x128xf32, #tpu.memory_space<hbm>>
      tpu.enqueue_dma source(%arg6 : memref<512x128xf32, #tpu.memory_space<vmem>>) target(%dma_start3A_168 : memref<512x128xf32, #tpu.memory_space<hbm>>) target_semaphore(%run_scoped3A : memref<!tpu.dma_semaphore, #tpu.memory_space<semaphore_mem>>)
      %dma_wait3A_169 = arith.constant 0 : i32
      %dma_wait3A_170 = tpu.memref_slice %arg4[%add3A_164, %dma_wait3A_169] : memref<32768x128xf32, #tpu.memory_space<hbm>> -> memref<512x128xf32, #tpu.memory_space<hbm>>
      %dma_wait3A_171 = arith.constant 0 : i32
      %dma_wait3A_172 = tpu.memref_slice %arg4[%add3A_164, %dma_wait3A_171] : memref<32768x128xf32, #tpu.memory_space<hbm>> -> memref<512x128xf32, #tpu.memory_space<hbm>>
      tpu.wait_dma2 semaphore(%run_scoped3A : memref<!tpu.dma_semaphore, #tpu.memory_space<semaphore_mem>>) src(%arg6 : memref<512x128xf32, #tpu.memory_space<vmem>>) dst(%dma_wait3A_172 : memref<512x128xf32, #tpu.memory_space<hbm>>)
      tpu.yield
    }) : () -> ()
    return
  }
}

module attributes {stable_mosaic.version = 14 : i64} {
  func.func @_transpose_body(%arg0: i32, %arg1: memref<32x16384xf32, #tpu.memory_space<vmem>>, %arg2: memref<32x16384xf32, #tpu.memory_space<vmem>>, %arg3: memref<32x16384xf32, #tpu.memory_space<vmem>>, %arg4: memref<32x16384xf32, #tpu.memory_space<vmem>>, %arg5: memref<16384x128xf32, #tpu.memory_space<vmem>>) attributes {dimension_semantics = [#tpu.dimension_semantics<arbitrary>], iteration_bounds = array<i64: 16>, scalar_prefetch = 0 : i64, scratch_operands = 0 : i64, tpu.core_type = #tpu.core_type<tc>, window_params = [{transform_indices = @transform_0, window_bounds = array<i64: 32, 16384>}, {transform_indices = @transform_1, window_bounds = array<i64: 32, 16384>}, {transform_indices = @transform_2, window_bounds = array<i64: 32, 16384>}, {transform_indices = @transform_3, window_bounds = array<i64: 32, 16384>}, {transform_indices = @transform_4, window_bounds = array<i64: 16384, 128>}]} {
    %get3A = arith.constant 0 : index
    %get3A_0 = arith.constant 0 : index
    %get3A_1 = vector.load %arg1[%get3A, %get3A_0] : memref<32x16384xf32, #tpu.memory_space<vmem>>, vector<32x16384xf32>
    %get3A_2 = arith.constant 0 : index
    %get3A_3 = arith.constant 0 : index
    %get3A_4 = vector.load %arg2[%get3A_2, %get3A_3] : memref<32x16384xf32, #tpu.memory_space<vmem>>, vector<32x16384xf32>
    %get3A_5 = arith.constant 0 : index
    %get3A_6 = arith.constant 0 : index
    %get3A_7 = vector.load %arg3[%get3A_5, %get3A_6] : memref<32x16384xf32, #tpu.memory_space<vmem>>, vector<32x16384xf32>
    %get3A_8 = arith.constant 0 : index
    %get3A_9 = arith.constant 0 : index
    %get3A_10 = vector.load %arg4[%get3A_8, %get3A_9] : memref<32x16384xf32, #tpu.memory_space<vmem>>, vector<32x16384xf32>
    %concatenate3A = tpu.concatenate %get3A_1, %get3A_4, %get3A_7, %get3A_10 in 0 : vector<32x16384xf32>, vector<32x16384xf32>, vector<32x16384xf32>, vector<32x16384xf32> -> vector<128x16384xf32>
    %transpose3A = tpu.transpose %concatenate3A, [1, 0] : vector<128x16384xf32> -> vector<16384x128xf32>
    %swap3A = arith.constant 0 : index
    %swap3A_11 = arith.constant 0 : index
    %swap3A_12 = vector.load %arg5[%swap3A, %swap3A_11] : memref<16384x128xf32, #tpu.memory_space<vmem>>, vector<16384x128xf32>
    tpu.vector_store %arg5[%swap3A, %swap3A_11], %transpose3A {strides = array<i32>} : memref<16384x128xf32, #tpu.memory_space<vmem>>, vector<16384x128xf32>,
    return
  }
  func.func @transform_0(%arg0: i32) -> (i32, i32) {
    %add3A = arith.constant 0 : i32
    %add3A_0 = arith.addi %add3A, %arg0 : i32
    %min3A = arith.constant 61 : i32
    %min3A_1 = arith.minsi %add3A_0, %min3A : i32
    %c0_i32 = arith.constant 0 : i32
    %c0_i32_2 = arith.constant 0 : i32
    return %c0_i32, %min3A_1 : i32, i32
  }
  func.func @transform_1(%arg0: i32) -> (i32, i32) {
    %add3A = arith.constant 16 : i32
    %add3A_0 = arith.addi %add3A, %arg0 : i32
    %min3A = arith.constant 61 : i32
    %min3A_1 = arith.minsi %add3A_0, %min3A : i32
    %c0_i32 = arith.constant 0 : i32
    %c0_i32_2 = arith.constant 0 : i32
    return %c0_i32, %min3A_1 : i32, i32
  }
  func.func @transform_2(%arg0: i32) -> (i32, i32) {
    %add3A = arith.constant 32 : i32
    %add3A_0 = arith.addi %add3A, %arg0 : i32
    %min3A = arith.constant 61 : i32
    %min3A_1 = arith.minsi %add3A_0, %min3A : i32
    %c0_i32 = arith.constant 0 : i32
    %c0_i32_2 = arith.constant 0 : i32
    return %c0_i32, %min3A_1 : i32, i32
  }
  func.func @transform_3(%arg0: i32) -> (i32, i32) {
    %add3A = arith.constant 48 : i32
    %add3A_0 = arith.addi %add3A, %arg0 : i32
    %min3A = arith.constant 61 : i32
    %min3A_1 = arith.minsi %add3A_0, %min3A : i32
    %c0_i32 = arith.constant 0 : i32
    %c0_i32_2 = arith.constant 0 : i32
    return %c0_i32, %min3A_1 : i32, i32
  }
  func.func @transform_4(%arg0: i32) -> (i32, i32) {
    %c0_i32 = arith.constant 0 : i32
    %c0_i32_0 = arith.constant 0 : i32
    return %arg0, %c0_i32 : i32, i32
  }
}

module attributes {stable_mosaic.version = 14 : i64} {
  func.func @_loss_body(%arg0: i32, %arg1: memref<2048x128xf32, #tpu.memory_space<vmem>>, %arg2: memref<2048x128xf32, #tpu.memory_space<vmem>>, %arg3: memref<2048x2xi32, #tpu.memory_space<vmem>>, %arg4: memref<2048x1xi32, #tpu.memory_space<vmem>>, %arg5: memref<2048x1xf32, #tpu.memory_space<vmem>>) attributes {dimension_semantics = [#tpu.dimension_semantics<arbitrary>], iteration_bounds = array<i64: 8>, scalar_prefetch = 0 : i64, scratch_operands = 0 : i64, tpu.core_type = #tpu.core_type<tc>, window_params = [{transform_indices = @transform_0, window_bounds = array<i64: 2048, 128>}, {transform_indices = @transform_1, window_bounds = array<i64: 2048, 128>}, {transform_indices = @transform_2, window_bounds = array<i64: 2048, 2>}, {transform_indices = @transform_3, window_bounds = array<i64: 2048, 1>}, {transform_indices = @transform_4, window_bounds = array<i64: 2048, 1>}]} {
    %get3A = arith.constant 0 : index
    %get3A_0 = arith.constant 0 : index
    %get3A_1 = vector.load %arg1[%get3A, %get3A_0] : memref<2048x128xf32, #tpu.memory_space<vmem>>, vector<2048x128xf32>
    %get3A_2 = arith.constant 0 : index
    %get3A_3 = arith.constant 0 : index
    %get3A_4 = vector.load %arg2[%get3A_2, %get3A_3] : memref<2048x128xf32, #tpu.memory_space<vmem>>, vector<2048x128xf32>
    %get3A_5 = arith.constant 0 : index
    %get3A_6 = arith.constant 0 : index
    %get3A_7 = vector.load %arg3[%get3A_5, %get3A_6] : memref<2048x2xi32, #tpu.memory_space<vmem>>, vector<2048x2xi32>
    %slice3A = vector.extract_strided_slice %get3A_7 {offsets = [0, 0], sizes = [2048, 1], strides = [1, 1]} : vector<2048x2xi32> to vector<2048x1xi32>
    %shift_right_arithmetic3A = arith.constant 18 : i32
    %shift_right_arithmetic3A_8 = vector.broadcast %shift_right_arithmetic3A : i32 to vector<2048x1xi32>
    %shift_right_arithmetic3A_9 = arith.shrsi %slice3A, %shift_right_arithmetic3A_8 : vector<2048x1xi32>
    %slice3A_10 = vector.extract_strided_slice %get3A_7 {offsets = [0, 1], sizes = [2048, 1], strides = [1, 1]} : vector<2048x2xi32> to vector<2048x1xi32>
    %shift_right_arithmetic3A_11 = arith.constant 18 : i32
    %shift_right_arithmetic3A_12 = vector.broadcast %shift_right_arithmetic3A_11 : i32 to vector<2048x1xi32>
    %shift_right_arithmetic3A_13 = arith.shrsi %slice3A_10, %shift_right_arithmetic3A_12 : vector<2048x1xi32>
    %iota3A = tpu.iota {dimensions = array<i32: 1>} : vector<2048x32xi32>
    %mul3A = arith.constant 32 : i32
    %mul3A_14 = vector.broadcast %mul3A : i32 to vector<2048x1xi32>
    %mul3A_15 = arith.muli %shift_right_arithmetic3A_9, %mul3A_14 : vector<2048x1xi32>
    %add3A = vector.broadcast %mul3A_15 : vector<2048x1xi32> to vector<2048x32xi32>
    %add3A_16 = arith.addi %add3A, %iota3A : vector<2048x32xi32>
    %lt3A = arith.constant 0 : i32
    %lt3A_17 = vector.broadcast %lt3A : i32 to vector<2048x32xi32>
    %lt3A_18 = arith.cmpi slt, %add3A_16, %lt3A_17 : vector<2048x32xi32>
    %add3A_19 = arith.constant 128 : i32
    %add3A_20 = vector.broadcast %add3A_19 : i32 to vector<2048x32xi32>
    %add3A_21 = arith.addi %add3A_16, %add3A_20 : vector<2048x32xi32>
    %select_n3A = arith.select %lt3A_18, %add3A_21, %add3A_16 : vector<2048x32xi1>, vector<2048x32xi32>
    %reshape3A = vector.shape_cast %select_n3A : vector<2048x32xi32> to vector<2048x32x1xi32>
    %gather3A = vector.shape_cast %reshape3A : vector<2048x32x1xi32> to vector<2048x32xi32>
    %gather3A_22 = tpu.dynamic_gather %get3A_1[%gather3A] in [1] : vector<2048x128xf32>, vector<2048x32xi32> -> vector<2048x32xf32>
    %mul3A_23 = arith.constant 32 : i32
    %mul3A_24 = vector.broadcast %mul3A_23 : i32 to vector<2048x1xi32>
    %mul3A_25 = arith.muli %shift_right_arithmetic3A_13, %mul3A_24 : vector<2048x1xi32>
    %add3A_26 = vector.broadcast %mul3A_25 : vector<2048x1xi32> to vector<2048x32xi32>
    %add3A_27 = arith.addi %add3A_26, %iota3A : vector<2048x32xi32>
    %lt3A_28 = arith.constant 0 : i32
    %lt3A_29 = vector.broadcast %lt3A_28 : i32 to vector<2048x32xi32>
    %lt3A_30 = arith.cmpi slt, %add3A_27, %lt3A_29 : vector<2048x32xi32>
    %add3A_31 = arith.constant 128 : i32
    %add3A_32 = vector.broadcast %add3A_31 : i32 to vector<2048x32xi32>
    %add3A_33 = arith.addi %add3A_27, %add3A_32 : vector<2048x32xi32>
    %select_n3A_34 = arith.select %lt3A_30, %add3A_33, %add3A_27 : vector<2048x32xi1>, vector<2048x32xi32>
    %reshape3A_35 = vector.shape_cast %select_n3A_34 : vector<2048x32xi32> to vector<2048x32x1xi32>
    %gather3A_36 = vector.shape_cast %reshape3A_35 : vector<2048x32x1xi32> to vector<2048x32xi32>
    %gather3A_37 = tpu.dynamic_gather %get3A_4[%gather3A_36] in [1] : vector<2048x128xf32>, vector<2048x32xi32> -> vector<2048x32xf32>
    %sub3A = arith.subf %gather3A_22, %gather3A_37 : vector<2048x32xf32>
    %integer_pow3A = arith.mulf %sub3A, %sub3A : vector<2048x32xf32>
    %reduce_sum3A = arith.constant dense<0.000000e+00> : vector<2048xf32>
    %reduce_sum3A_38 = vector.multi_reduction <add>, %integer_pow3A, %reduce_sum3A [1] : vector<2048x32xf32> to vector<2048xf32>
    %broadcast_in_dim3A = vector.shape_cast %reduce_sum3A_38 : vector<2048xf32> to vector<2048x1xf32>
    %mul3A_39 = arith.mulf %gather3A_22, %gather3A_22 : vector<2048x32xf32>
    %reduce_sum3A_40 = arith.constant dense<0.000000e+00> : vector<2048xf32>
    %reduce_sum3A_41 = vector.multi_reduction <add>, %mul3A_39, %reduce_sum3A_40 [1] : vector<2048x32xf32> to vector<2048xf32>
    %broadcast_in_dim3A_42 = vector.shape_cast %reduce_sum3A_41 : vector<2048xf32> to vector<2048x1xf32>
    %mul3A_43 = arith.mulf %gather3A_37, %gather3A_37 : vector<2048x32xf32>
    %reduce_sum3A_44 = arith.constant dense<0.000000e+00> : vector<2048xf32>
    %reduce_sum3A_45 = vector.multi_reduction <add>, %mul3A_43, %reduce_sum3A_44 [1] : vector<2048x32xf32> to vector<2048xf32>
    %broadcast_in_dim3A_46 = vector.shape_cast %reduce_sum3A_45 : vector<2048xf32> to vector<2048x1xf32>
    %mul3A_47 = arith.constant 2.000000e+00 : f32
    %mul3A_48 = vector.broadcast %mul3A_47 : f32 to vector<2048x1xf32>
    %mul3A_49 = arith.mulf %mul3A_48, %broadcast_in_dim3A : vector<2048x1xf32>
    %sub3A_50 = arith.constant 1.000000e+00 : f32
    %sub3A_51 = vector.broadcast %sub3A_50 : f32 to vector<2048x1xf32>
    %sub3A_52 = arith.subf %sub3A_51, %broadcast_in_dim3A_42 : vector<2048x1xf32>
    %sub3A_53 = arith.constant 1.000000e+00 : f32
    %sub3A_54 = vector.broadcast %sub3A_53 : f32 to vector<2048x1xf32>
    %sub3A_55 = arith.subf %sub3A_54, %broadcast_in_dim3A_46 : vector<2048x1xf32>
    %mul3A_56 = arith.mulf %sub3A_52, %sub3A_55 : vector<2048x1xf32>
    %div3A = arith.divf %mul3A_49, %mul3A_56 : vector<2048x1xf32>
    %add3A_57 = arith.constant 1.000000e+00 : f32
    %add3A_58 = vector.broadcast %add3A_57 : f32 to vector<2048x1xf32>
    %add3A_59 = arith.addf %add3A_58, %div3A : vector<2048x1xf32>
    %mul3A_60 = arith.mulf %add3A_59, %add3A_59 : vector<2048x1xf32>
    %sub3A_61 = arith.constant 1.000000e+00 : f32
    %sub3A_62 = vector.broadcast %sub3A_61 : f32 to vector<2048x1xf32>
    %sub3A_63 = arith.subf %mul3A_60, %sub3A_62 : vector<2048x1xf32>
    %sqrt3A = math.sqrt %sub3A_63 : vector<2048x1xf32>
    %add3A_64 = arith.addf %add3A_59, %sqrt3A : vector<2048x1xf32>
    %log3A = math.log %add3A_64 : vector<2048x1xf32>
    %sub3A_65 = arith.constant 1.000000e+01 : f32
    %sub3A_66 = vector.broadcast %sub3A_65 : f32 to vector<2048x1xf32>
    %sub3A_67 = arith.subf %log3A, %sub3A_66 : vector<2048x1xf32>
    %div3A_68 = arith.constant 1.000000e+00 : f32
    %div3A_69 = vector.broadcast %div3A_68 : f32 to vector<2048x1xf32>
    %div3A_70 = arith.divf %sub3A_67, %div3A_69 : vector<2048x1xf32>
    %get3A_71 = arith.constant 0 : index
    %get3A_72 = arith.constant 0 : index
    %get3A_73 = vector.load %arg4[%get3A_71, %get3A_72] : memref<2048x1xi32, #tpu.memory_space<vmem>>, vector<2048x1xi32>
    %convert_element_type3A = arith.sitofp %get3A_73 : vector<2048x1xi32> to vector<2048x1xf32>
    %eq3A = arith.constant 1.000000e+00 : f32
    %eq3A_74 = vector.broadcast %eq3A : f32 to vector<2048x1xf32>
    %eq3A_75 = arith.cmpf oeq, %convert_element_type3A, %eq3A_74 : vector<2048x1xf32>
    %exp3A = math.exp %div3A_70 : vector<2048x1xf32>
    %add3A_76 = arith.constant 1.000000e+00 : f32
    %add3A_77 = vector.broadcast %add3A_76 : f32 to vector<2048x1xf32>
    %add3A_78 = arith.addf %exp3A, %add3A_77 : vector<2048x1xf32>
    %log3A_79 = math.log %add3A_78 : vector<2048x1xf32>
    %neg3A = arith.constant 0.000000e+00 : f32
    %neg3A_80 = vector.broadcast %neg3A : f32 to vector<2048x1xf32>
    %neg3A_81 = arith.subf %neg3A_80, %div3A_70 : vector<2048x1xf32>
    %exp3A_82 = math.exp %neg3A_81 : vector<2048x1xf32>
    %add3A_83 = arith.constant 1.000000e+00 : f32
    %add3A_84 = vector.broadcast %add3A_83 : f32 to vector<2048x1xf32>
    %add3A_85 = arith.addf %add3A_84, %exp3A_82 : vector<2048x1xf32>
    %log3A_86 = math.log %add3A_85 : vector<2048x1xf32>
    %select_n3A_87 = arith.select %eq3A_75, %log3A_79, %log3A_86 : vector<2048x1xi1>, vector<2048x1xf32>
    %swap3A = arith.constant 0 : index
    %swap3A_88 = arith.constant 0 : index
    %swap3A_89 = vector.load %arg5[%swap3A, %swap3A_88] : memref<2048x1xf32, #tpu.memory_space<vmem>>, vector<2048x1xf32>
    tpu.vector_store %arg5[%swap3A, %swap3A_88], %select_n3A_87 {strides = array<i32>} : memref<2048x1xf32, #tpu.memory_space<vmem>>, vector<2048x1xf32>,
    return
  }
  func.func @transform_0(%arg0: i32) -> (i32, i32) {
    %c0_i32 = arith.constant 0 : i32
    %c0_i32_0 = arith.constant 0 : i32
    return %arg0, %c0_i32 : i32, i32
  }
  func.func @transform_1(%arg0: i32) -> (i32, i32) {
    %add3A = arith.constant 8 : i32
    %add3A_0 = arith.addi %arg0, %add3A : i32
    %c0_i32 = arith.constant 0 : i32
    %c0_i32_1 = arith.constant 0 : i32
    return %add3A_0, %c0_i32 : i32, i32
  }
  func.func @transform_2(%arg0: i32) -> (i32, i32) {
    %c0_i32 = arith.constant 0 : i32
    %c0_i32_0 = arith.constant 0 : i32
    return %arg0, %c0_i32 : i32, i32
  }
  func.func @transform_3(%arg0: i32) -> (i32, i32) {
    %c0_i32 = arith.constant 0 : i32
    %c0_i32_0 = arith.constant 0 : i32
    return %arg0, %c0_i32 : i32, i32
  }
  func.func @transform_4(%arg0: i32) -> (i32, i32) {
    %c0_i32 = arith.constant 0 : i32
    %c0_i32_0 = arith.constant 0 : i32
    return %arg0, %c0_i32 : i32, i32
  }
}

</mosaic_0001>

<sc_bundles>
// kernel: kernel.5.cloned.1.call-start
scs
__scs_entry_jumppad:
0x0: {  	(pc) =	sbr.rel $0x88, $3  }
0x1: {  	(tag) =	ssettag $0x0;
	lr =	simm.s32 $0x1  }
0x2: {  	[smem:$0x3F9E] =	sst lr;
	_ =	strace $0xD0000000  }
0x3: {  	_ = 	snop  }
0x4: {  	_ = 	snop  }
0x5: {  	_ = 	snop  }
0x6: {  	_ = 	snop  }
0x7: {  	_ = 	snop  }
__scs_overlays_trampoline_lowered:
0x8: {  	[smem:$0x3FAD] =	sst s0  }
0x9: {  	[smem:$0x3FAE] =	sst s1  }
0xa: {  	[smem:$0x3FAF] =	sst s2  }
0xb: {  	[smem:$0x3FB0] =	sst s3  }
0xc: {  	[smem:$0x3FB1] =	sst s4  }
0xd: {  	[smem:$0x3FB2] =	sst s5  }
0xe: {  	[smem:$0x3FB3] =	sst s6  }
0xf: {  	[smem:$0x3FB4] =	sst s7  }
0x10: {  	[smem:$0x3FB5] =	sst s8  }
0x11: {  	[smem:$0x3FB6] =	sst s9;
	s0 =	simm.s32 @!p0 $0x0  }
0x12: {  	s1 =	sld [smem:$0x3F9C];
	s0 =	simm.s32 @p0 $0x1  }
0x13: {  	[smem:$0x3FB7] =	sst s0;
	s0 =	simm.s32 @!p1 $0x0  }
0x14: {  	s2 =	sld [smem:$0x3F9B];
	s0 =	simm.s32 @p1 $0x1  }
0x15: {  	[smem:$0x3FB8] =	sst s0;
	s0 =	simm.s32 @!p2 $0x0  }
0x16: {  	s3 =	sld [smem:$0x3FDB];
	s0 =	simm.s32 @p2 $0x1  }
0x17: {  	s4 =	simm.s32 $0x1BF5;
	[smem:$0x3FBA] =	sst s0  }
0x18: {  	s0 =	sld [smem:$0x3F9D];
	_ =	swait.ge [sflag:s4], $0x0  }
0x19: {  	s7 =	sld [smem:$0x3F9E]  }
0x1a: {  	s8 =	sadd.s32 $0xFFFFE003, lr  }
0x1b: {  	s9 =	sadd.s32 $0xFFFFFEF7, lr;
	s5 =	simm.s32 $0xFFFFFFFF;
	p2 =	slt.u32 s8, $0xFFFFF086  }
0x1c: {  	p1 =	slt.u32 s9, $0xF7A;
	s5 =	simm.s32 @!p2 $0x0  }
0x1d: {  	s5 =	simm.s32 @p1 $0x1;
	p0 =	seq.s32 s7, s2  }
0x1e: {  	s7 =	smul.u32 @!p0 $0xF7A, s2;
	p2 =	seq.s32 @!p0 s5, $0x0  }
0x1f: {  	s9 =	smul.u32 $0xF7A, s1;
	s8 =	simm.s32 @!p0 $0x1BF5;
	p2 =	por !p2, p0  }
0x20: {  	[sflag:s8] =	ssyncset.s32 @!p0 $0xFFFFF086;
	s6 =	sadd.s32 @!p0 s3, s7;
	s7 =	simm.s32 @!p0 $0x108  }
0x21: {  	s3 =	sadd.s32 s3, s9;
	s6 =	sadd.s32 @!p0 $0x88, s6;
	s7 =	simm.s32 @p2 $0x1082  }
0x22: {  	[simem:s7], [sflag:s8] =	dma.local @!p0 [hbm:s6], $0xF7A  }
0x23: {  	s9 =	sor.u32 $0xD0000000, s2;
	s6 =	simm.s32 $0x108;
	_ =	swait.ge @!p0 [sflag:s8], $0x0  }
0x24: {  	s3 =	sadd.s32 $0x88, s3;
	s6 =	simm.s32 @!p1 $0x1082;
	[sflag:s4] =	ssyncset.s32 $0xFFFFF086  }
0x25: {  	[simem:s6], [sflag:s4] =	dma.local [hbm:s3], $0xF7A  }
0x26: {  	[smem:$0x3F9E] =	sst s1;
	(tag) =	ssettag s2;
	_ =	strace s9  }
0x27: {  	s1 =	sld [smem:$0x3FAE]  }
0x28: {  	s2 =	sld [smem:$0x3FAF]  }
0x29: {  	s4 =	sld [smem:$0x3FB1]  }
0x2a: {  	p0 =	seq.s32 s5, $0x0;
	s5 =	sld [smem:$0x3FB2]  }
0x2b: {  	s6 =	sld [smem:$0x3FB3]  }
0x2c: {  	s7 =	sld [smem:$0x3FB4]  }
0x2d: {  	s3 =	simm.s32 $0x108;
	s8 =	sld [smem:$0x3FB5]  }
0x2e: {  	s3 =	simm.s32 @!p0 $0x1082;
	s9 =	sld [smem:$0x3FB6]  }
0x2f: {  	lr =	sadd.s32 s0, s3;
	s0 =	sld [smem:$0x3FAD]  }
0x30: {  	s3 =	sld [smem:$0x3FB0]  }
0x31: {  	[smem:$0x3FB9] =	sst s10  }
0x32: {  	s10 =	sld [smem:$0x3FB7];
	_ =	sdelay $0x3  }
0x33: {  	p0 =	seq.s32 s10, $0x1;
	s10 =	sld [smem:$0x3FB9];
	_ =	sdelay $0x3  }
0x34: {  	[smem:$0x3FB9] =	sst s10  }
0x35: {  	s10 =	sld [smem:$0x3FB8];
	_ =	sdelay $0x3  }
0x36: {  	p1 =	seq.s32 s10, $0x1;
	s10 =	sld [smem:$0x3FB9];
	_ =	sdelay $0x3  }
0x37: {  	[smem:$0x3FB9] =	sst s10  }
0x38: {  	s10 =	sld [smem:$0x3FBA]  }
0x39: {  	_ = 	snop;
	(pc) =	sbr.ind lr, $3  }
0x3a: {  	_ = 	snop  }
0x3b: {  	_ = 	snop  }
0x3c: {  	p2 =	seq.s32 s10, $0x1;
	s10 =	sld [smem:$0x3FB9]  }
0x3d: {  	_ =	shalt  }
0x3e: {  	_ =	shalt  }
0x3f: {  	_ =	shalt  }
0x40: {  	_ =	shalt  }
0x41: {  	_ =	shalt  }
0x42: {  	_ =	shalt  }
0x43: {  	_ =	shalt  }
0x44: {  	_ =	shalt  }
0x45: {  	_ =	shalt  }
0x46: {  	_ =	shalt  }
0x47: {  	_ =	shalt  }
0x48: {  	_ =	shalt  }
0x49: {  	_ =	shalt  }
0x4a: {  	_ =	shalt  }
0x4b: {  	_ =	shalt  }
0x4c: {  	_ =	shalt  }
0x4d: {  	_ =	shalt  }
0x4e: {  	_ =	shalt  }
0x4f: {  	_ =	shalt  }
0x50: {  	_ =	shalt  }
0x51: {  	_ =	shalt  }
0x52: {  	_ =	shalt  }
0x53: {  	_ =	shalt  }
0x54: {  	_ =	shalt  }
0x55: {  	_ =	shalt  }
0x56: {  	_ =	shalt  }
0x57: {  	_ =	shalt  }
0x58: {  	_ =	shalt  }
0x59: {  	_ =	shalt  }
0x5a: {  	_ =	shalt  }
0x5b: {  	_ =	shalt  }
0x5c: {  	_ =	shalt  }
0x5d: {  	_ =	shalt  }
0x5e: {  	_ =	shalt  }
0x5f: {  	_ =	shalt  }
0x60: {  	_ =	shalt  }
0x61: {  	_ =	shalt  }
0x62: {  	_ =	shalt  }
0x63: {  	_ =	shalt  }
0x64: {  	_ =	shalt  }
0x65: {  	_ =	shalt  }
0x66: {  	_ =	shalt  }
0x67: {  	_ =	shalt  }
0x68: {  	_ =	shalt  }
0x69: {  	_ =	shalt  }
0x6a: {  	_ =	shalt  }
0x6b: {  	_ =	shalt  }
0x6c: {  	_ =	shalt  }
0x6d: {  	_ =	shalt  }
0x6e: {  	_ =	shalt  }
0x6f: {  	_ =	shalt  }
0x70: {  	_ =	shalt  }
0x71: {  	_ =	shalt  }
0x72: {  	_ =	shalt  }
0x73: {  	_ =	shalt  }
0x74: {  	_ =	shalt  }
0x75: {  	_ =	shalt  }
0x76: {  	_ =	shalt  }
0x77: {  	_ =	shalt  }
0x78: {  	_ =	shalt  }
0x79: {  	_ =	shalt  }
0x7a: {  	_ =	shalt  }
0x7b: {  	_ =	shalt  }
0x7c: {  	_ =	shalt  }
0x7d: {  	_ =	shalt  }
0x7e: {  	_ =	shalt  }
0x7f: {  	_ =	shalt  }
0x80: {  	_ =	shalt  }
0x81: {  	_ =	shalt  }
0x82: {  	_ =	shalt  }
0x83: {  	_ =	shalt  }
0x84: {  	_ =	shalt  }
0x85: {  	_ =	shalt  }
0x86: {  	_ =	shalt  }
0x87: {  	_ =	shalt  }
.Lfunc_end0:
.L_simem_size_0:
called_computation_lowered:
.L_overlay_start_0:
0x88: {  	s2 =	sld [smem:$0x3FD9]  }
0x89: {  	s3 =	sld [smem:$0x3FFE];
	_ =	sdelay $0x1  }
0x8a: {  	s1 =	srdreg.scid  }
0x8b: {  	s0 =	sand.u32 $0x1, s1  }
0x8c: {  	s16 =	sshll.u32 s0, $0xA;
	s2 =	sadd.s32 s3, s2  }
0x8d: {  	s2 =	sadd.s32 s2, s16  }
0x8e: {  	[smem:$0x3FC5] =	sst s2  }
0x8f: {  	_ = 	snop  }
0x90: {  	(tm) =	ssettm $0x1  }
0x91: {  	s17 =	sld [smem:$0x3FFB];
	_ =	sdelay $0x3  }
0x92: {  	_ =	strace s17  }
0x93: {  	s2 =	sld [smem:$0x3FFC];
	_ =	sdelay $0x3  }
0x94: {  	_ =	strace s2  }
0x95: {  	s2 =	sld [smem:$0x3FFD];
	_ =	sdelay $0x3  }
0x96: {  	_ =	strace s2  }
0x97: {  	_ =	strace $0x8FFFFFFF  }
0x98: {  	s18 =	sld [smem:$0x3FDB];
	_ =	sdelay $0x1  }
0x99: {  	s19 =	simm.s32 $_scs_section_size  }
0x9a: {  	s4 =	simm.s32 $_size__tile_overlayer_lowered;
	s5 =	simm.s32 $_tile_overlayer_lowered  }
0x9b: {  	s22 =	simm.s32 $0x1BFF;
	s21 =	sshll.u32 s5, $0x1;
	s2 =	sadd.s32 s19, s18  }
0x9c: {  	s6 =	simm.s32 $0x0;
	s20 =	sshll.u32 s4, $0x1;
	s4 =	sadd.s32 s21, s2  }
0x9d: {  	[timem:s6], [sflag:s22] =	dma.local [hbm:s4], s20  }
0x9e: {  	_ =	swait.ge [sflag:s22], s20  }
0x9f: {  	s3 =	ssub.s32 $0x0, s20;
	[sflag:s22] =	ssyncset.done $0x0  }
0xa0: {  	[sflag:s22] =	ssyncadd.s32 s3;
	_ =	sdelay $0x1  }
0xa1: {  	s23 =	simm.s32 $0x1B8B  }
0xa2: {  	_ =	swait.ge [sflag:s23], $0x1  }
0xa3: {  	[sflag:s23] =	ssyncset.done $0x0  }
0xa4: {  	s25 =	simm.s32 $0x1B8E;
	s24 =	sld [smem:$0x3FFE];
	[sflag:s23] =	ssyncadd.s32 $0xFFFFFFFF  }
0xa5: {  	s26 =	simm.s32 $execute0_lowered;
	[smem:$0x3FD2] =	sst s25  }
0xa6: {  	s4 =	sshll.u32 s26, $0x1;
	_ =	strace $0x80000046;
	[dreg:$0x1] =	wrdreg $0xFFFFFFFF  }
0xa7: {  	s28 =	simm.s32 $_size_execute0_lowered;
	s2 =	sadd.s32 s2, s4;
	[dreg:$0x0] =	wrdreg $0x0  }
0xa8: {  	s4 =	sshll.u32 s28, $0x1;
	[dreg:$0x2] =	wrdreg s2  }
0xa9: {  	[dreg:$0x3] =	wrdreg s4  }
0xaa: {  	[dreg:$0x4] =	wrdreg $0xC0  }
0xab: {  	_ =	task [dreg:s6], $0x5FFFF  }
0xac: {  	[dreg:$0x1] =	wrdreg $0xFFFFFFFF  }
0xad: {  	[dreg:$0x0] =	wrdreg $0x60  }
0xae: {  	[dreg:$0x2] =	wrdreg s24  }
0xaf: {  	[dreg:$0x3] =	wrdreg $0x9  }
0xb0: {  	_ =	task.clear_ibuf [dreg:s6], $0x4FFFF;
	_ =	strace $0x90000046  }
0xb1: {  	s29 =	simm.s32 $0x9;
	_ =	strace $0x80000048  }
0xb2: {  	_ =	swait.ge [sflag:s29], $0x1  }
0xb3: {  	[sflag:s29] =	ssyncadd.s32 $0xFFFFFFFF  }
0xb4: {  	_ =	strace $0x90000048  }
0xb5: {  	_ =	sfence  }
0xb6: {  	s30 =	sld [smem:$0x0];
	_ =	sdelay $0x2  }
0xb7: {  	s31 =	sshll.u32 s1, $0xD;
	s1 =	sshrl.u32 s1, $0x2  }
0xb8: {  	s3 =	sand.u32 $0x4000, s31;
	s1 =	sadd.s32 s1, s30  }
0xb9: {  	s0 =	sor.u32 s3, s0;
	s1 =	sshll.u32 s1, $0x11  }
0xba: {  	s0 =	sor.u32 s1, s0  }
0xbb: {  	s0 =	sadd.s32 $0x8F2B, s0  }
0xbc: {  	[sflag:s0] =	ssyncadd.remote.s32 $0x1  }
0xbd: {  	_ =	sfence.sel $0xFFFF  }
0xbe: {  	[dreg:$0x0] =	wrdreg $0xFFFFFFFF;
	(pc) =	sbr.abs _section_cstart, $3  }
0xbf: {  	[dreg:$0x1] =	wrdreg $0xFFFFFFFF  }
0xc0: {  	_ =	task.clear_ibuf [dreg:s6], $0x2FFFF;
	_ =	strace $0x9FFFFFFF  }
0xc1: {  	(tm) =	ssettm $0x7FFFFFFF  }
tec
execute0_lowered:
.L_overlay_start_1:
0x0: {  	(tag) =	ssettag $0x1  }
0x1: {  	s1 =	srdreg.scid  }
0x2: {  	s0 =	stileid.u32;
	s19 =	sand.u32 $0x1, s1  }
0x3: {  	s30 =	sshll.u32 s0, $0xB;
	s2 =	sshll.u32 s19, $0xA  }
0x4: {  	s14 =	rddreg [dreg:$0x0];
	s15 =	sor.u32 s2, s30  }
0x5: {  	s1 =	rddreg [dreg:$0x1];
	s2 =	simm.s32 $0x0;
	s3 =	sshrl.u32 s15, $0x3  }
0x6: {  	[smem:$0x7FF] =	sst s2;
	s3 =	sadd.s32 s3, s14  }
0x7: {  	_ =	strace $0x80000047;
	s4 =	sadd.s32 $0x401200, s3;
	s3 =	simm.s32 $0x2  }
0x8: {  	[tilespmem:s2], [sflag:$0x2] =	stream.linear.gather [hbm4b:s4+s2], $0x400, $0x38;
	[tilespmem:$0x10400] =	vst v63  }
0x9: {  	_ =	swait.ge [sflag:s3], $0x400  }
0xa: {  	s6 =	simm.s32 $0x80;
	[sflag:s3] =	ssyncset.done $0x0  }
0xb: {  	s7 =	simm.s32 $0x400;
	s5 =	sadd.s32 $0x1200, s14;
	[sflag:s3] =	ssyncadd.s32 $0xFFFFFC00  }
0xc: {  	[tilespmem:s7], [sflag:$0x1] =	stream.indirect.gather [hbm4b:s5+s6], $0x80, s2, s6, $0xb8;
	[tilespmem:$0x10400] =	vst v63  }
0xd: {  	s8 =	simm.s32 $0x4400  }
0xe: {  	[tilespmem:s8], [sflag:$0x1] =	stream.indirect.gather [hbm4b:s5+s6], $0x80, s6, s6, $0xb8;
	[tilespmem:$0x10400] =	vst v63  }
0xf: {  	s9 =	simm.s32 $0x100;
	s10 =	simm.s32 $0x8400  }
0x10: {  	[tilespmem:s10], [sflag:$0x1] =	stream.indirect.gather [hbm4b:s5+s6], $0x80, s9, s6, $0xb8;
	[tilespmem:$0x10400] =	vst v63  }
0x11: {  	s11 =	simm.s32 $0x180;
	s12 =	simm.s32 $0xC400;
	s13 =	simm.s32 $0x1  }
0x12: {  	[tilespmem:s12], [sflag:$0x1] =	stream.indirect.gather [hbm4b:s5+s6], $0x80, s11, s6, $0xb8;
	[tilespmem:$0x10400] =	vst v63  }
0x13: {  	_ =	swait.ge [sflag:s13], $0x4000  }
0x14: {  	[sflag:s13] =	ssyncset.done $0x0  }
0x15: {  	[sflag:s13] =	ssyncadd.s32 $0xFFFFC000  }
0x16: {  	_ =	swait.ge [sflag:s13], $0x4000  }
0x17: {  	[sflag:s13] =	ssyncset.done $0x0  }
0x18: {  	[sflag:s13] =	ssyncadd.s32 $0xFFFFC000  }
0x19: {  	_ =	swait.ge [sflag:s13], $0x4000  }
0x1a: {  	[sflag:s13] =	ssyncset.done $0x0  }
0x1b: {  	[sflag:s13] =	ssyncadd.s32 $0xFFFFC000  }
0x1c: {  	s15 =	sshll.u32 s15, $0x4;
	_ =	swait.ge [sflag:s13], $0x4000  }
0x1d: {  	s20 =	sadd.s32 s15, s14;
	[sflag:s13] =	ssyncset.done $0x0  }
0x1e: {  	s14 =	sadd.s32 $0x402200, s20;
	[sflag:s13] =	ssyncadd.s32 $0xFFFFC000  }
0x1f: {  	[hbm4b:s14+s2] =	stream.linear.scatter [tilespmem:s7], [sflag:$0x2], $0x10000, $0x38;
	[tilespmem:$0x10400] =	vst v63  }
0x20: {  	_ =	swait.ge [sflag:s3], $0x10000  }
0x21: {  	[sflag:s3] =	ssyncset.done $0x0  }
0x22: {  	s15 =	simm.s32 $0x200;
	[sflag:s3] =	ssyncadd.s32 $0xFFFF0000  }
0x23: {  	[tilespmem:s7], [sflag:$0x1] =	stream.indirect.gather [hbm4b:s5+s6], $0x80, s15, s6, $0xb8;
	[tilespmem:$0x10400] =	vst v63  }
0x24: {  	s16 =	simm.s32 $0x280  }
0x25: {  	[tilespmem:s8], [sflag:$0x1] =	stream.indirect.gather [hbm4b:s5+s6], $0x80, s16, s6, $0xb8;
	[tilespmem:$0x10400] =	vst v63  }
0x26: {  	s17 =	simm.s32 $0x300  }
0x27: {  	[tilespmem:s10], [sflag:$0x1] =	stream.indirect.gather [hbm4b:s5+s6], $0x80, s17, s6, $0xb8;
	[tilespmem:$0x10400] =	vst v63  }
0x28: {  	s18 =	simm.s32 $0x380  }
0x29: {  	[tilespmem:s12], [sflag:$0x1] =	stream.indirect.gather [hbm4b:s5+s6], $0x80, s18, s6, $0xb8;
	[tilespmem:$0x10400] =	vst v63  }
0x2a: {  	_ =	swait.ge [sflag:s13], $0x4000  }
0x2b: {  	[sflag:s13] =	ssyncset.done $0x0  }
0x2c: {  	[sflag:s13] =	ssyncadd.s32 $0xFFFFC000  }
0x2d: {  	_ =	swait.ge [sflag:s13], $0x4000  }
0x2e: {  	[sflag:s13] =	ssyncset.done $0x0  }
0x2f: {  	s19 =	ssub.s32 $0x2, s19;
	[sflag:s13] =	ssyncadd.s32 $0xFFFFC000  }
0x30: {  	s21 =	sshrl.u32 s19, $0x1;
	_ =	swait.ge [sflag:s13], $0x4000  }
0x31: {  	s21 =	ssub.s32 s19, s21;
	[sflag:s13] =	ssyncset.done $0x0  }
0x32: {  	s31 =	smax.u32 s21, $0x1;
	[sflag:s13] =	ssyncadd.s32 $0xFFFFC000  }
0x33: {  	p0 =	sne.s32 s31, $0x1;
	_ =	swait.ge [sflag:s13], $0x4000  }
.Ltmp0:
0x34: {  	[sflag:s13] =	ssyncset.done $0x0;
	(pc) =	sbr.rel @!p0 .LBB2_2-.Ltmp0, $4  }
0x35: {  	s19 =	sadd.s32 $0x404200, s20;
	[sflag:s13] =	ssyncadd.s32 $0xFFFFC000  }
0x36: {  	[hbm4b:s19+s2] =	stream.linear.scatter [tilespmem:s7], [sflag:$0x2], $0x10000, $0x38;
	[tilespmem:$0x10400] =	vst v63  }
0x37: {  	_ =	swait.ge [sflag:s3], $0x10000  }
0x38: {  	s20 =	sadd.s32 $0xFFFFFFFF, s31;
	[sflag:s3] =	ssyncset.done $0x0  }
.LBB2_1:
0x39: {  	p0 =	sne.s32 s20, $0x1;
	s20 =	sadd.s32 $0xFFFFFFFF, s20;
	[sflag:s3] =	ssyncadd.s32 $0xFFFF0000  }
0x3a: {  	[tilespmem:s2], [sflag:$0x2] =	stream.linear.gather [hbm4b:s4+s2], $0x400, $0x38;
	[tilespmem:$0x10400] =	vst v63  }
0x3b: {  	_ =	swait.ge [sflag:s3], $0x400  }
0x3c: {  	[sflag:s3] =	ssyncset.done $0x0  }
0x3d: {  	[sflag:s3] =	ssyncadd.s32 $0xFFFFFC00  }
0x3e: {  	[tilespmem:s7], [sflag:$0x1] =	stream.indirect.gather [hbm4b:s5+s6], $0x80, s2, s6, $0xb8;
	[tilespmem:$0x10400] =	vst v63  }
0x3f: {  	_ = 	snop  }
0x40: {  	[tilespmem:s8], [sflag:$0x1] =	stream.indirect.gather [hbm4b:s5+s6], $0x80, s6, s6, $0xb8;
	[tilespmem:$0x10400] =	vst v63  }
0x41: {  	_ = 	snop  }
0x42: {  	[tilespmem:s10], [sflag:$0x1] =	stream.indirect.gather [hbm4b:s5+s6], $0x80, s9, s6, $0xb8;
	[tilespmem:$0x10400] =	vst v63  }
0x43: {  	_ = 	snop  }
0x44: {  	[tilespmem:s12], [sflag:$0x1] =	stream.indirect.gather [hbm4b:s5+s6], $0x80, s11, s6, $0xb8;
	[tilespmem:$0x10400] =	vst v63  }
0x45: {  	_ =	swait.ge [sflag:s13], $0x4000  }
0x46: {  	[sflag:s13] =	ssyncset.done $0x0  }
0x47: {  	[sflag:s13] =	ssyncadd.s32 $0xFFFFC000  }
0x48: {  	_ =	swait.ge [sflag:s13], $0x4000  }
0x49: {  	[sflag:s13] =	ssyncset.done $0x0  }
0x4a: {  	[sflag:s13] =	ssyncadd.s32 $0xFFFFC000  }
0x4b: {  	_ =	swait.ge [sflag:s13], $0x4000  }
0x4c: {  	[sflag:s13] =	ssyncset.done $0x0  }
0x4d: {  	[sflag:s13] =	ssyncadd.s32 $0xFFFFC000  }
0x4e: {  	_ =	swait.ge [sflag:s13], $0x4000  }
0x4f: {  	[sflag:s13] =	ssyncset.done $0x0  }
0x50: {  	[sflag:s13] =	ssyncadd.s32 $0xFFFFC000  }
0x51: {  	[hbm4b:s14+s2] =	stream.linear.scatter [tilespmem:s7], [sflag:$0x2], $0x10000, $0x38;
	[tilespmem:$0x10400] =	vst v63  }
0x52: {  	_ =	swait.ge [sflag:s3], $0x10000  }
0x53: {  	[sflag:s3] =	ssyncset.done $0x0  }
0x54: {  	[sflag:s3] =	ssyncadd.s32 $0xFFFF0000  }
0x55: {  	[tilespmem:s7], [sflag:$0x1] =	stream.indirect.gather [hbm4b:s5+s6], $0x80, s15, s6, $0xb8;
	[tilespmem:$0x10400] =	vst v63  }
0x56: {  	_ = 	snop  }
0x57: {  	[tilespmem:s8], [sflag:$0x1] =	stream.indirect.gather [hbm4b:s5+s6], $0x80, s16, s6, $0xb8;
	[tilespmem:$0x10400] =	vst v63  }
0x58: {  	_ = 	snop  }
0x59: {  	[tilespmem:s10], [sflag:$0x1] =	stream.indirect.gather [hbm4b:s5+s6], $0x80, s17, s6, $0xb8;
	[tilespmem:$0x10400] =	vst v63  }
0x5a: {  	_ = 	snop  }
0x5b: {  	[tilespmem:s12], [sflag:$0x1] =	stream.indirect.gather [hbm4b:s5+s6], $0x80, s18, s6, $0xb8;
	[tilespmem:$0x10400] =	vst v63  }
0x5c: {  	_ =	swait.ge [sflag:s13], $0x4000  }
0x5d: {  	[sflag:s13] =	ssyncset.done $0x0  }
0x5e: {  	[sflag:s13] =	ssyncadd.s32 $0xFFFFC000  }
0x5f: {  	_ =	swait.ge [sflag:s13], $0x4000  }
0x60: {  	[sflag:s13] =	ssyncset.done $0x0  }
0x61: {  	[sflag:s13] =	ssyncadd.s32 $0xFFFFC000  }
0x62: {  	_ =	swait.ge [sflag:s13], $0x4000  }
0x63: {  	[sflag:s13] =	ssyncset.done $0x0  }
0x64: {  	[sflag:s13] =	ssyncadd.s32 $0xFFFFC000  }
0x65: {  	_ =	swait.ge [sflag:s13], $0x4000  }
.Ltmp1:
0x66: {  	[sflag:s13] =	ssyncset.done $0x0;
	(pc) =	sbr.rel @p0 .LBB2_1-.Ltmp1, $4  }
0x67: {  	[sflag:s13] =	ssyncadd.s32 $0xFFFFC000  }
0x68: {  	[hbm4b:s19+s2] =	stream.linear.scatter [tilespmem:s7], [sflag:$0x2], $0x10000, $0x38;
	[tilespmem:$0x10400] =	vst v63  }
0x69: {  	_ =	swait.ge [sflag:s3], $0x10000  }
0x6a: {  	[sflag:s3] =	ssyncset.done $0x0  }
.LBB2_2:
0x6b: {  	[sflag:s3] =	ssyncadd.s32 $0xFFFF0000  }
0x6c: {  	_ =	sfence.sel $0x180000  }
0x6d: {  	[bflag:$0x0] =	sbarrier.arrive $0xFFFF  }
0x6e: {  	p0 =	sne.s32 s0, $0x0;
	_ =	strace $0x90000047  }
0x6f: {  	s0 =	sadd.s32 @!p0 $0x100000, s1;
	[bflag:$0x2] =	sbarrier.arrive $0xFFFF  }
0x70: {  	[sflag:s0] =	ssyncadd.tile.s32 @!p0 $0x1;
	_ =	shalt  }
.Lfunc_end2:
_tile_overlayer_lowered:
.L_overlay_start_2:
0x71: {  	(tag) =	ssettag $0x2  }
0x72: {  	s0 =	rddreg [dreg:$0x0];
	s2 =	stileid.u32  }
0x73: {  	s1 =	rddreg [dreg:$0x1];
	p0 =	sne.s32 s2, $0x0  }
0x74: {  	s3 =	rddreg [dreg:$0x2];
	[bflag:$0x3] =	sbarrier.arrive $0xFFFF;
	s2 =	simm.s32 @!p0 $0x1C02  }
0x75: {  	[timem:s3], [sflag:s2] =	dma.local @!p0 [hbm:s0], s1  }
0x76: {  	s0 =	simm.s32 @!p0 $0x2  }
0x77: {  	_ =	swait.ge @!p0 [sflag:s0], s1  }
0x78: {  	s1 =	ssub.s32 @!p0 $0x0, s1;
	[sflag:s0] =	ssyncset.done @!p0 $0x0  }
0x79: {  	[sflag:s0] =	ssyncadd.s32 @!p0 s1  }
0x7a: {  	[bflag:$0x3] =	sbarrier.arrive $0xFFFF  }
0x7b: {  	_ =	shalt  }

</sc_bundles>
